<compile_context>
chip_gen: v7x
topology: tpu7x:2x2x1
jax: 0.10.2.dev20260603
libtpu: 0.0.44.dev20260713+nightly
codegen_flags: <defaults>
</compile_context>

<pallas_src>
import functools

import jax
import jax.numpy as jnp
from jax import lax
from jax.experimental import pallas as pl
from jax.experimental.pallas import tpu as pltpu
from jax.experimental.pallas import tpu_sc as plsc

_EPS = 1e-08
_L = 16

_GATHER_DNUMS = lax.GatherDimensionNumbers(
    offset_dims=(), collapsed_slice_dims=(0,), start_index_map=(0,))


def _lane_sum(v):
    lanes = lax.iota(jnp.int32, _L)
    for k in (8, 4, 2, 1):
        perm = lax.reshape(jnp.bitwise_xor(lanes, k), (_L, 1))
        v = v + lax.gather(v, perm, _GATHER_DNUMS, slice_sizes=(1,),
                           mode=lax.GatherScatterMode.PROMISE_IN_BOUNDS)
    return v


def _rsqrt(a):
    i = lax.bitcast_convert_type(a, jnp.int32)
    i = jnp.int32(0x5F3759DF) - lax.shift_right_logical(i, 1)
    y = lax.bitcast_convert_type(i, jnp.float32)
    h = 0.5 * a
    for _ in range(2):
        y = y * (1.5 - h * y * y)
    return y


@functools.partial(jax.jit, static_argnums=(4, 5))
def _sc_embed(x_flat, tok_table, pos_table, scale, T, D):
    info = plsc.get_sparse_core_info()
    NC, NS = info.num_cores, info.num_subcores
    NW = NC * NS
    N = x_flat.shape[0]
    seq_per_w = N // T // NW
    nj = D // _L

    mesh = plsc.VectorSubcoreMesh(core_axis_name="c", subcore_axis_name="s")

    @functools.partial(
        pl.kernel,
        mesh=mesh,
        compiler_params=pltpu.CompilerParams(
            use_tc_tiling_on_sc=False, needs_layout_passes=False),
        out_type=jax.ShapeDtypeStruct((N, D), jnp.float32),
        scratch_types=[
            pltpu.VMEM((T,), jnp.int32),
            pltpu.VMEM((T, D), jnp.float32),
            pltpu.VMEM((T, D), jnp.float32),
            pltpu.VMEM((T, D), jnp.float32),
            pltpu.VMEM((D,), jnp.float32),
            pltpu.SemaphoreType.DMA,
        ],
    )
    def k(x_hbm, tok_hbm, pos_hbm, scale_hbm, out_hbm,
          idx_v, rows_v, out_v, pos_v, scale_v, sem):
        wid = lax.axis_index("s") * NC + lax.axis_index("c")
        pltpu.sync_copy(pos_hbm.at[pl.ds(0, T)], pos_v)
        pltpu.sync_copy(scale_hbm, scale_v)
        s8 = [scale_v[pl.ds(j * _L, _L)] * float(D) ** 0.5 for j in range(nj)]
        base_w = wid * seq_per_w * T

        def seq_body(c, carry):
            base = base_w + c * T
            pltpu.sync_copy(x_hbm.at[pl.ds(base, T)], idx_v)
            pltpu.async_copy(tok_hbm.at[idx_v], rows_v, sem).wait()

            def row_body(t, carry2):
                vs = []
                acc = None
                for j in range(nj):
                    v = (rows_v[t, pl.ds(j * _L, _L)]
                         + pos_v[t, pl.ds(j * _L, _L)])
                    vs.append(v)
                    sq = v * v
                    acc = sq if acc is None else acc + sq
                rn = _rsqrt(_lane_sum(acc) + D * _EPS)
                for j in range(nj):
                    out_v[t, pl.ds(j * _L, _L)] = vs[j] * (rn * s8[j])
                return carry2

            lax.fori_loop(0, T, row_body, 0)
            pltpu.sync_copy(out_v, out_hbm.at[pl.ds(base, T)])
            return carry

        lax.fori_loop(0, seq_per_w, seq_body, 0)

    return k(x_flat, tok_table, pos_table, scale)


def kernel(x, tok_table, pos_table, scale):
    Bz, Tz = x.shape
    D = tok_table.shape[1]
    out2 = _sc_embed(x.reshape(Bz * Tz), tok_table, pos_table, scale, Tz, D)
    return out2.reshape(Bz, Tz, D)

# --- scband reference (transcript-rebuilt; emitter-appended) ---
"""Pipeline reference for scband-embeddings-81913616269538 (READ-ONLY COPY).

The authoritative reference and input builder live on the scoring server;
editing this copy changes nothing except your own understanding.
"""

import jax, jax.numpy as jnp
import numpy as np

VOCAB = 1000000
E_DIM = 64
MAX_LEN = 512
B = 4096
T = 200
EPS = 1e-08


def setup_inputs(seed: int = 0) -> dict:
    key = jax.random.key(seed)
    k1, k2, k3 = jax.random.split(key, 3)
    x = jax.random.randint(k1, (B, T), 0, VOCAB, dtype=jnp.int64 if jax.config.jax_enable_x64 else jnp.int32).astype(jnp.int32)
    tok_table = jax.random.normal(k2, (VOCAB, E_DIM), dtype=jnp.float32) * 0.02
    pos_table = jax.random.normal(k3, (MAX_LEN, E_DIM), dtype=jnp.float32) * 0.02
    scale = jnp.ones((E_DIM,), dtype=jnp.float32)
    return {"x": x, "tok_table": tok_table, "pos_table": pos_table, "scale": scale}


def reference(x, tok_table, pos_table, scale):
    Bz, Tz = x.shape
    positions = jnp.arange(Tz, dtype=x.dtype)
    emb = jnp.take(tok_table, x, axis=0) + jnp.take(pos_table, positions, axis=0)[None, :, :]
    emb = emb.astype(jnp.float32)
    rms = jnp.sqrt(jnp.mean(emb ** 2, axis=-1, keepdims=True) + EPS)
    out = scale * (emb / rms)
    # dropout is identity in eval / reference mode
    return out

if __name__ == "__main__":
    import jax
    _d = setup_inputs()
    print(jax.jit(kernel)(*tuple(_d.values())))

</pallas_src>

<mosaic_0001>
#map = affine_map<(d0, d1) -> (0)>
#map1 = affine_map<(d0, d1) -> (0, 0)>
module attributes {stable_mosaic.version = 14 : i64} {
  func.func @k(%arg0: i32, %arg1: i32, %arg2: memref<819200xi32, #tpu.memory_space<hbm>>, %arg3: memref<1000000x64xf32, #tpu.memory_space<hbm>>, %arg4: memref<512x64xf32, #tpu.memory_space<hbm>>, %arg5: memref<64xf32, #tpu.memory_space<hbm>>, %arg6: memref<819200x64xf32, #tpu.memory_space<hbm>>, %arg7: memref<200xi32, #tpu.memory_space<vmem>>, %arg8: memref<200x64xf32, #tpu.memory_space<vmem>>, %arg9: memref<200x64xf32, #tpu.memory_space<vmem>>, %arg10: memref<200x64xf32, #tpu.memory_space<vmem>>, %arg11: memref<64xf32, #tpu.memory_space<vmem>>, %arg12: memref<!tpu.dma_semaphore, #tpu.memory_space<semaphore_mem>>) attributes {dimension_semantics = [#tpu.dimension_semantics<core_parallel>, #tpu.dimension_semantics<subcore_parallel>], iteration_bounds = array<i64: 2, 16>, scalar_prefetch = 0 : i64, scratch_operands = 6 : i64, tpu.core_type = #tpu.core_type<sc_vector_subcore>, window_params = [{transform_indices = #map}, {transform_indices = #map1}, {transform_indices = #map1}, {transform_indices = #map}, {transform_indices = #map1}]} {
    %mul3A = arith.constant 2 : i32
    %mul3A_0 = arith.muli %arg1, %mul3A : i32
    %add3A = arith.addi %mul3A_0, %arg0 : i32
    "tpu.region"() ({
      %run_scoped3A = tpu.sem_alloc : memref<!tpu.dma_semaphore, #tpu.memory_space<semaphore_mem>>
      %dma_start3A = arith.constant 0 : i32
      %dma_start3A_29 = arith.constant 0 : i32
      %dma_start3A_30 = tpu.memref_slice %arg4[%dma_start3A, %dma_start3A_29] : memref<512x64xf32, #tpu.memory_space<hbm>> -> memref<200x64xf32, #tpu.memory_space<hbm>>
      %dma_start3A_31 = arith.constant 0 : i32
      %dma_start3A_32 = arith.constant 0 : i32
      %dma_start3A_33 = tpu.memref_slice %arg4[%dma_start3A_31, %dma_start3A_32] : memref<512x64xf32, #tpu.memory_space<hbm>> -> memref<200x64xf32, #tpu.memory_space<hbm>>
      tpu.enqueue_dma source(%dma_start3A_33 : memref<200x64xf32, #tpu.memory_space<hbm>>) target(%arg10 : memref<200x64xf32, #tpu.memory_space<vmem>>) target_semaphore(%run_scoped3A : memref<!tpu.dma_semaphore, #tpu.memory_space<semaphore_mem>>)
      %dma_wait3A = arith.constant 0 : i32
      %dma_wait3A_34 = arith.constant 0 : i32
      %dma_wait3A_35 = tpu.memref_slice %arg4[%dma_wait3A, %dma_wait3A_34] : memref<512x64xf32, #tpu.memory_space<hbm>> -> memref<200x64xf32, #tpu.memory_space<hbm>>
      %dma_wait3A_36 = arith.constant 0 : i32
      %dma_wait3A_37 = arith.constant 0 : i32
      %dma_wait3A_38 = tpu.memref_slice %arg4[%dma_wait3A_36, %dma_wait3A_37] : memref<512x64xf32, #tpu.memory_space<hbm>> -> memref<200x64xf32, #tpu.memory_space<hbm>>
      tpu.wait_dma2 semaphore(%run_scoped3A : memref<!tpu.dma_semaphore, #tpu.memory_space<semaphore_mem>>) src(%dma_wait3A_38 : memref<200x64xf32, #tpu.memory_space<hbm>>) dst(%arg10 : memref<200x64xf32, #tpu.memory_space<vmem>>)
      tpu.yield
    }) : () -> ()
    "tpu.region"() ({
      %run_scoped3A = tpu.sem_alloc : memref<!tpu.dma_semaphore, #tpu.memory_space<semaphore_mem>>
      tpu.enqueue_dma source(%arg5 : memref<64xf32, #tpu.memory_space<hbm>>) target(%arg11 : memref<64xf32, #tpu.memory_space<vmem>>) target_semaphore(%run_scoped3A : memref<!tpu.dma_semaphore, #tpu.memory_space<semaphore_mem>>)
      tpu.wait_dma2 semaphore(%run_scoped3A : memref<!tpu.dma_semaphore, #tpu.memory_space<semaphore_mem>>) src(%arg5 : memref<64xf32, #tpu.memory_space<hbm>>) dst(%arg11 : memref<64xf32, #tpu.memory_space<vmem>>)
      tpu.yield
    }) : () -> ()
    %get3A = arith.constant 0 : index
    %get3A_1 = tpu.vector_load %arg11[%get3A] {strides = array<i32>} : memref<64xf32, #tpu.memory_space<vmem>>, vector<16xf32>,
    %mul3A_2 = arith.constant 8.000000e+00 : f32
    %mul3A_3 = vector.broadcast %mul3A_2 : f32 to vector<16xf32>
    %mul3A_4 = arith.mulf %get3A_1, %mul3A_3 : vector<16xf32>
    %get3A_5 = arith.constant 16 : index
    %get3A_6 = tpu.vector_load %arg11[%get3A_5] {strides = array<i32>} : memref<64xf32, #tpu.memory_space<vmem>>, vector<16xf32>,
    %mul3A_7 = arith.constant 8.000000e+00 : f32
    %mul3A_8 = vector.broadcast %mul3A_7 : f32 to vector<16xf32>
    %mul3A_9 = arith.mulf %get3A_6, %mul3A_8 : vector<16xf32>
    %get3A_10 = arith.constant 32 : index
    %get3A_11 = tpu.vector_load %arg11[%get3A_10] {strides = array<i32>} : memref<64xf32, #tpu.memory_space<vmem>>, vector<16xf32>,
    %mul3A_12 = arith.constant 8.000000e+00 : f32
    %mul3A_13 = vector.broadcast %mul3A_12 : f32 to vector<16xf32>
    %mul3A_14 = arith.mulf %get3A_11, %mul3A_13 : vector<16xf32>
    %get3A_15 = arith.constant 48 : index
    %get3A_16 = tpu.vector_load %arg11[%get3A_15] {strides = array<i32>} : memref<64xf32, #tpu.memory_space<vmem>>, vector<16xf32>,
    %mul3A_17 = arith.constant 8.000000e+00 : f32
    %mul3A_18 = vector.broadcast %mul3A_17 : f32 to vector<16xf32>
    %mul3A_19 = arith.mulf %get3A_16, %mul3A_18 : vector<16xf32>
    %mul3A_20 = arith.constant 128 : i32
    %mul3A_21 = arith.muli %add3A, %mul3A_20 : i32
    %mul3A_22 = arith.constant 200 : i32
    %mul3A_23 = arith.muli %mul3A_21, %mul3A_22 : i32
    %scan3A = arith.constant 0 : i32
    %scan3A_24 = arith.constant 0 : i32
    %scan3A_25 = arith.constant 128 : i32
    %scan3A_26 = arith.addi %scan3A_24, %scan3A_25 : i32
    %scan3A_27 = arith.constant 1 : i32
    scf.for %scan3A_29 = %scan3A_24 to %scan3A_26 step %scan3A_27  : i32 {
      %mul3A_30 = arith.constant 200 : i32
      %mul3A_31 = arith.muli %scan3A_29, %mul3A_30 : i32
      %add3A_32 = arith.addi %mul3A_23, %mul3A_31 : i32
      "tpu.region"() ({
        %run_scoped3A = tpu.sem_alloc : memref<!tpu.dma_semaphore, #tpu.memory_space<semaphore_mem>>
        %dma_start3A_43 = tpu.memref_slice %arg2[%add3A_32] : memref<819200xi32, #tpu.memory_space<hbm>> -> memref<200xi32, #tpu.memory_space<hbm>>
        %dma_start3A_44 = tpu.memref_slice %arg2[%add3A_32] : memref<819200xi32, #tpu.memory_space<hbm>> -> memref<200xi32, #tpu.memory_space<hbm>>
        tpu.enqueue_dma source(%dma_start3A_44 : memref<200xi32, #tpu.memory_space<hbm>>) target(%arg7 : memref<200xi32, #tpu.memory_space<vmem>>) target_semaphore(%run_scoped3A : memref<!tpu.dma_semaphore, #tpu.memory_space<semaphore_mem>>)
        %dma_wait3A_45 = tpu.memref_slice %arg2[%add3A_32] : memref<819200xi32, #tpu.memory_space<hbm>> -> memref<200xi32, #tpu.memory_space<hbm>>
        %dma_wait3A_46 = tpu.memref_slice %arg2[%add3A_32] : memref<819200xi32, #tpu.memory_space<hbm>> -> memref<200xi32, #tpu.memory_space<hbm>>
        tpu.wait_dma2 semaphore(%run_scoped3A : memref<!tpu.dma_semaphore, #tpu.memory_space<semaphore_mem>>) src(%dma_wait3A_46 : memref<200xi32, #tpu.memory_space<hbm>>) dst(%arg7 : memref<200xi32, #tpu.memory_space<vmem>>)
        tpu.yield
      }) : () -> ()
      %dma_start3A = arith.constant 0 : i32
      %dma_start3A_33 = arith.constant 0 : i32
      %dma_start3A_34 = tpu.memref_slice %arg3[%dma_start3A, %dma_start3A_33] : memref<1000000x64xf32, #tpu.memory_space<hbm>> -> memref<1000000x64xf32, #tpu.memory_space<hbm>>
      tpu.enqueue_indirect_dma source(%dma_start3A_34 : memref<1000000x64xf32, #tpu.memory_space<hbm>>) target(%arg8 : memref<200x64xf32, #tpu.memory_space<vmem>>) offsets(%arg7 : memref<200xi32, #tpu.memory_space<vmem>>) semaphore(%arg12 : memref<!tpu.dma_semaphore, #tpu.memory_space<semaphore_mem>>)
      %dma_wait3A = arith.constant 0 : i32
      %dma_wait3A_35 = arith.constant 0 : i32
      %dma_wait3A_36 = tpu.memref_slice %arg3[%dma_wait3A, %dma_wait3A_35] : memref<1000000x64xf32, #tpu.memory_space<hbm>> -> memref<1000000x64xf32, #tpu.memory_space<hbm>>
      tpu.wait_indirect_dma semaphore(%arg12 : memref<!tpu.dma_semaphore, #tpu.memory_space<semaphore_mem>>) src(%dma_wait3A_36 : memref<1000000x64xf32, #tpu.memory_space<hbm>>) dst(%arg8 : memref<200x64xf32, #tpu.memory_space<vmem>>)
      %scan3A_37 = arith.constant 0 : i32
      %scan3A_38 = arith.constant 0 : i32
      %scan3A_39 = arith.constant 200 : i32
      %scan3A_40 = arith.addi %scan3A_38, %scan3A_39 : i32
      %scan3A_41 = arith.constant 1 : i32
      scf.for %scan3A_43 = %scan3A_38 to %scan3A_40 step %scan3A_41  : i32 {
        %get3A_44 = arith.index_cast %scan3A_43 : i32 to index
        %get3A_45 = arith.constant 0 : index
        %get3A_46 = tpu.vector_load %arg8[%get3A_44, %get3A_45] {strides = array<i32>} : memref<200x64xf32, #tpu.memory_space<vmem>>, vector<16xf32>,
        %get3A_47 = arith.index_cast %scan3A_43 : i32 to index
        %get3A_48 = arith.constant 0 : index
        %get3A_49 = tpu.vector_load %arg10[%get3A_47, %get3A_48] {strides = array<i32>} : memref<200x64xf32, #tpu.memory_space<vmem>>, vector<16xf32>,
        %add3A_50 = arith.addf %get3A_46, %get3A_49 : vector<16xf32>
        %mul3A_51 = arith.mulf %add3A_50, %add3A_50 : vector<16xf32>
        %get3A_52 = arith.index_cast %scan3A_43 : i32 to index
        %get3A_53 = arith.constant 16 : index
        %get3A_54 = tpu.vector_load %arg8[%get3A_52, %get3A_53] {strides = array<i32>} : memref<200x64xf32, #tpu.memory_space<vmem>>, vector<16xf32>,
        %get3A_55 = arith.index_cast %scan3A_43 : i32 to index
        %get3A_56 = arith.constant 16 : index
        %get3A_57 = tpu.vector_load %arg10[%get3A_55, %get3A_56] {strides = array<i32>} : memref<200x64xf32, #tpu.memory_space<vmem>>, vector<16xf32>,
        %add3A_58 = arith.addf %get3A_54, %get3A_57 : vector<16xf32>
        %mul3A_59 = arith.mulf %add3A_58, %add3A_58 : vector<16xf32>
        %add3A_60 = arith.addf %mul3A_51, %mul3A_59 : vector<16xf32>
        %get3A_61 = arith.index_cast %scan3A_43 : i32 to index
        %get3A_62 = arith.constant 32 : index
        %get3A_63 = tpu.vector_load %arg8[%get3A_61, %get3A_62] {strides = array<i32>} : memref<200x64xf32, #tpu.memory_space<vmem>>, vector<16xf32>,
        %get3A_64 = arith.index_cast %scan3A_43 : i32 to index
        %get3A_65 = arith.constant 32 : index
        %get3A_66 = tpu.vector_load %arg10[%get3A_64, %get3A_65] {strides = array<i32>} : memref<200x64xf32, #tpu.memory_space<vmem>>, vector<16xf32>,
        %add3A_67 = arith.addf %get3A_63, %get3A_66 : vector<16xf32>
        %mul3A_68 = arith.mulf %add3A_67, %add3A_67 : vector<16xf32>
        %add3A_69 = arith.addf %add3A_60, %mul3A_68 : vector<16xf32>
        %get3A_70 = arith.index_cast %scan3A_43 : i32 to index
        %get3A_71 = arith.constant 48 : index
        %get3A_72 = tpu.vector_load %arg8[%get3A_70, %get3A_71] {strides = array<i32>} : memref<200x64xf32, #tpu.memory_space<vmem>>, vector<16xf32>,
        %get3A_73 = arith.index_cast %scan3A_43 : i32 to index
        %get3A_74 = arith.constant 48 : index
        %get3A_75 = tpu.vector_load %arg10[%get3A_73, %get3A_74] {strides = array<i32>} : memref<200x64xf32, #tpu.memory_space<vmem>>, vector<16xf32>,
        %add3A_76 = arith.addf %get3A_72, %get3A_75 : vector<16xf32>
        %mul3A_77 = arith.mulf %add3A_76, %add3A_76 : vector<16xf32>
        %add3A_78 = arith.addf %add3A_69, %mul3A_77 : vector<16xf32>
        %iota3A = tpu.iota {dimensions = array<i32: 0>} : vector<16xi32>
        %xor3A = arith.constant 8 : i32
        %xor3A_79 = vector.broadcast %xor3A : i32 to vector<16xi32>
        %xor3A_80 = arith.xori %iota3A, %xor3A_79 : vector<16xi32>
        %reshape3A = vector.shape_cast %xor3A_80 : vector<16xi32> to vector<16x1xi32>
        %gather3A = vector.shape_cast %reshape3A : vector<16x1xi32> to vector<16xi32>
        %gather3A_81 = tpu.dynamic_gather %add3A_78[%gather3A] in [0] : vector<16xf32>, vector<16xi32> -> vector<16xf32>
        %add3A_82 = arith.addf %add3A_78, %gather3A_81 : vector<16xf32>
        %xor3A_83 = arith.constant 4 : i32
        %xor3A_84 = vector.broadcast %xor3A_83 : i32 to vector<16xi32>
        %xor3A_85 = arith.xori %iota3A, %xor3A_84 : vector<16xi32>
        %reshape3A_86 = vector.shape_cast %xor3A_85 : vector<16xi32> to vector<16x1xi32>
        %gather3A_87 = vector.shape_cast %reshape3A_86 : vector<16x1xi32> to vector<16xi32>
        %gather3A_88 = tpu.dynamic_gather %add3A_82[%gather3A_87] in [0] : vector<16xf32>, vector<16xi32> -> vector<16xf32>
        %add3A_89 = arith.addf %add3A_82, %gather3A_88 : vector<16xf32>
        %xor3A_90 = arith.constant 2 : i32
        %xor3A_91 = vector.broadcast %xor3A_90 : i32 to vector<16xi32>
        %xor3A_92 = arith.xori %iota3A, %xor3A_91 : vector<16xi32>
        %reshape3A_93 = vector.shape_cast %xor3A_92 : vector<16xi32> to vector<16x1xi32>
        %gather3A_94 = vector.shape_cast %reshape3A_93 : vector<16x1xi32> to vector<16xi32>
        %gather3A_95 = tpu.dynamic_gather %add3A_89[%gather3A_94] in [0] : vector<16xf32>, vector<16xi32> -> vector<16xf32>
        %add3A_96 = arith.addf %add3A_89, %gather3A_95 : vector<16xf32>
        %xor3A_97 = arith.constant 1 : i32
        %xor3A_98 = vector.broadcast %xor3A_97 : i32 to vector<16xi32>
        %xor3A_99 = arith.xori %iota3A, %xor3A_98 : vector<16xi32>
        %reshape3A_100 = vector.shape_cast %xor3A_99 : vector<16xi32> to vector<16x1xi32>
        %gather3A_101 = vector.shape_cast %reshape3A_100 : vector<16x1xi32> to vector<16xi32>
        %gather3A_102 = tpu.dynamic_gather %add3A_96[%gather3A_101] in [0] : vector<16xf32>, vector<16xi32> -> vector<16xf32>
        %add3A_103 = arith.addf %add3A_96, %gather3A_102 : vector<16xf32>
        %add3A_104 = arith.constant 6.400000e-07 : f32
        %add3A_105 = vector.broadcast %add3A_104 : f32 to vector<16xf32>
        %add3A_106 = arith.addf %add3A_103, %add3A_105 : vector<16xf32>
        %bitcast_convert_type3A = tpu.bitcast %add3A_106 : vector<16xf32> -> vector<16xi32>
        %shift_right_logical3A = arith.constant 1 : i32
        %shift_right_logical3A_107 = vector.broadcast %shift_right_logical3A : i32 to vector<16xi32>
        %shift_right_logical3A_108 = arith.shrui %bitcast_convert_type3A, %shift_right_logical3A_107 : vector<16xi32>
        %sub3A = arith.constant 1597463007 : i32
        %sub3A_109 = vector.broadcast %sub3A : i32 to vector<16xi32>
        %sub3A_110 = arith.subi %sub3A_109, %shift_right_logical3A_108 : vector<16xi32>
        %bitcast_convert_type3A_111 = tpu.bitcast %sub3A_110 : vector<16xi32> -> vector<16xf32>
        %mul3A_112 = arith.constant 5.000000e-01 : f32
        %mul3A_113 = vector.broadcast %mul3A_112 : f32 to vector<16xf32>
        %mul3A_114 = arith.mulf %mul3A_113, %add3A_106 : vector<16xf32>
        %mul3A_115 = arith.mulf %mul3A_114, %bitcast_convert_type3A_111 : vector<16xf32>
        %mul3A_116 = arith.mulf %mul3A_115, %bitcast_convert_type3A_111 : vector<16xf32>
        %sub3A_117 = arith.constant 1.500000e+00 : f32
        %sub3A_118 = vector.broadcast %sub3A_117 : f32 to vector<16xf32>
        %sub3A_119 = arith.subf %sub3A_118, %mul3A_116 : vector<16xf32>
        %mul3A_120 = arith.mulf %bitcast_convert_type3A_111, %sub3A_119 : vector<16xf32>
        %mul3A_121 = arith.mulf %mul3A_114, %mul3A_120 : vector<16xf32>
        %mul3A_122 = arith.mulf %mul3A_121, %mul3A_120 : vector<16xf32>
        %sub3A_123 = arith.constant 1.500000e+00 : f32
        %sub3A_124 = vector.broadcast %sub3A_123 : f32 to vector<16xf32>
        %sub3A_125 = arith.subf %sub3A_124, %mul3A_122 : vector<16xf32>
        %mul3A_126 = arith.mulf %mul3A_120, %sub3A_125 : vector<16xf32>
        %mul3A_127 = arith.mulf %mul3A_126, %mul3A_4 : vector<16xf32>
        %mul3A_128 = arith.mulf %add3A_50, %mul3A_127 : vector<16xf32>
        %swap3A = arith.index_cast %scan3A_43 : i32 to index
        %swap3A_129 = arith.constant 0 : index
        %swap3A_130 = tpu.vector_load %arg9[%swap3A, %swap3A_129] {strides = array<i32>} : memref<200x64xf32, #tpu.memory_space<vmem>>, vector<16xf32>,
        tpu.vector_store %arg9[%swap3A, %swap3A_129], %mul3A_128 {strides = array<i32>} : memref<200x64xf32, #tpu.memory_space<vmem>>, vector<16xf32>,
        %mul3A_131 = arith.mulf %mul3A_126, %mul3A_9 : vector<16xf32>
        %mul3A_132 = arith.mulf %add3A_58, %mul3A_131 : vector<16xf32>
        %swap3A_133 = arith.index_cast %scan3A_43 : i32 to index
        %swap3A_134 = arith.constant 16 : index
        %swap3A_135 = tpu.vector_load %arg9[%swap3A_133, %swap3A_134] {strides = array<i32>} : memref<200x64xf32, #tpu.memory_space<vmem>>, vector<16xf32>,
        tpu.vector_store %arg9[%swap3A_133, %swap3A_134], %mul3A_132 {strides = array<i32>} : memref<200x64xf32, #tpu.memory_space<vmem>>, vector<16xf32>,
        %mul3A_136 = arith.mulf %mul3A_126, %mul3A_14 : vector<16xf32>
        %mul3A_137 = arith.mulf %add3A_67, %mul3A_136 : vector<16xf32>
        %swap3A_138 = arith.index_cast %scan3A_43 : i32 to index
        %swap3A_139 = arith.constant 32 : index
        %swap3A_140 = tpu.vector_load %arg9[%swap3A_138, %swap3A_139] {strides = array<i32>} : memref<200x64xf32, #tpu.memory_space<vmem>>, vector<16xf32>,
        tpu.vector_store %arg9[%swap3A_138, %swap3A_139], %mul3A_137 {strides = array<i32>} : memref<200x64xf32, #tpu.memory_space<vmem>>, vector<16xf32>,
        %mul3A_141 = arith.mulf %mul3A_126, %mul3A_19 : vector<16xf32>
        %mul3A_142 = arith.mulf %add3A_76, %mul3A_141 : vector<16xf32>
        %swap3A_143 = arith.index_cast %scan3A_43 : i32 to index
        %swap3A_144 = arith.constant 48 : index
        %swap3A_145 = tpu.vector_load %arg9[%swap3A_143, %swap3A_144] {strides = array<i32>} : memref<200x64xf32, #tpu.memory_space<vmem>>, vector<16xf32>,
        tpu.vector_store %arg9[%swap3A_143, %swap3A_144], %mul3A_142 {strides = array<i32>} : memref<200x64xf32, #tpu.memory_space<vmem>>, vector<16xf32>,
      }
      %scan3A_42 = arith.constant 200 : i32
      "tpu.region"() ({
        %run_scoped3A = tpu.sem_alloc : memref<!tpu.dma_semaphore, #tpu.memory_space<semaphore_mem>>
        %dma_start3A_43 = arith.constant 0 : i32
        %dma_start3A_44 = tpu.memref_slice %arg6[%add3A_32, %dma_start3A_43] : memref<819200x64xf32, #tpu.memory_space<hbm>> -> memref<200x64xf32, #tpu.memory_space<hbm>>
        %dma_start3A_45 = arith.constant 0 : i32
        %dma_start3A_46 = tpu.memref_slice %arg6[%add3A_32, %dma_start3A_45] : memref<819200x64xf32, #tpu.memory_space<hbm>> -> memref<200x64xf32, #tpu.memory_space<hbm>>
        tpu.enqueue_dma source(%arg9 : memref<200x64xf32, #tpu.memory_space<vmem>>) target(%dma_start3A_46 : memref<200x64xf32, #tpu.memory_space<hbm>>) target_semaphore(%run_scoped3A : memref<!tpu.dma_semaphore, #tpu.memory_space<semaphore_mem>>)
        %dma_wait3A_47 = arith.constant 0 : i32
        %dma_wait3A_48 = tpu.memref_slice %arg6[%add3A_32, %dma_wait3A_47] : memref<819200x64xf32, #tpu.memory_space<hbm>> -> memref<200x64xf32, #tpu.memory_space<hbm>>
        %dma_wait3A_49 = arith.constant 0 : i32
        %dma_wait3A_50 = tpu.memref_slice %arg6[%add3A_32, %dma_wait3A_49] : memref<819200x64xf32, #tpu.memory_space<hbm>> -> memref<200x64xf32, #tpu.memory_space<hbm>>
        tpu.wait_dma2 semaphore(%run_scoped3A : memref<!tpu.dma_semaphore, #tpu.memory_space<semaphore_mem>>) src(%arg9 : memref<200x64xf32, #tpu.memory_space<vmem>>) dst(%dma_wait3A_50 : memref<200x64xf32, #tpu.memory_space<hbm>>)
        tpu.yield
      }) : () -> ()
    }
    %scan3A_28 = arith.constant 128 : i32
    return
  }
}

</mosaic_0001>

<sc_bundles>
// kernel: _sc_embed.3.cloned.1.call-start
scs
__scs_entry_jumppad:
0x0: {  	(pc) =	sbr.rel $0x88, $3  }
0x1: {  	(tag) =	ssettag $0x0;
	lr =	simm.s32 $0x1  }
0x2: {  	[smem:$0x3F9D] =	sst lr;
	_ =	strace $0xD0000000  }
0x3: {  	_ = 	snop  }
0x4: {  	_ = 	snop  }
0x5: {  	_ = 	snop  }
0x6: {  	_ = 	snop  }
0x7: {  	_ = 	snop  }
__scs_overlays_trampoline_lowered:
0x8: {  	[smem:$0x3FAC] =	sst s0  }
0x9: {  	[smem:$0x3FAD] =	sst s1  }
0xa: {  	[smem:$0x3FAE] =	sst s2  }
0xb: {  	[smem:$0x3FAF] =	sst s3  }
0xc: {  	[smem:$0x3FB0] =	sst s4  }
0xd: {  	[smem:$0x3FB1] =	sst s5  }
0xe: {  	[smem:$0x3FB2] =	sst s6  }
0xf: {  	[smem:$0x3FB3] =	sst s7  }
0x10: {  	[smem:$0x3FB4] =	sst s8  }
0x11: {  	[smem:$0x3FB5] =	sst s9;
	s0 =	simm.s32 @!p0 $0x0  }
0x12: {  	s1 =	sld [smem:$0x3F9B];
	s0 =	simm.s32 @p0 $0x1  }
0x13: {  	[smem:$0x3FB6] =	sst s0;
	s0 =	simm.s32 @!p1 $0x0  }
0x14: {  	s2 =	sld [smem:$0x3F9A];
	s0 =	simm.s32 @p1 $0x1  }
0x15: {  	[smem:$0x3FB7] =	sst s0;
	s0 =	simm.s32 @!p2 $0x0  }
0x16: {  	s3 =	sld [smem:$0x3FDB];
	s0 =	simm.s32 @p2 $0x1  }
0x17: {  	s4 =	simm.s32 $0x1BF5;
	[smem:$0x3FB9] =	sst s0  }
0x18: {  	s0 =	sld [smem:$0x3F9C];
	_ =	swait.ge [sflag:s4], $0x0  }
0x19: {  	s7 =	sld [smem:$0x3F9D]  }
0x1a: {  	s8 =	sadd.s32 $0xFFFFE003, lr  }
0x1b: {  	s9 =	sadd.s32 $0xFFFFFEF7, lr;
	s5 =	simm.s32 $0xFFFFFFFF;
	p2 =	slt.u32 s8, $0xFFFFF086  }
0x1c: {  	p1 =	slt.u32 s9, $0xF7A;
	s5 =	simm.s32 @!p2 $0x0  }
0x1d: {  	s5 =	simm.s32 @p1 $0x1;
	p0 =	seq.s32 s7, s2  }
0x1e: {  	s7 =	smul.u32 @!p0 $0xF7A, s2;
	p2 =	seq.s32 @!p0 s5, $0x0  }
0x1f: {  	s9 =	smul.u32 $0xF7A, s1;
	s8 =	simm.s32 @!p0 $0x1BF5;
	p2 =	por !p2, p0  }
0x20: {  	[sflag:s8] =	ssyncset.s32 @!p0 $0xFFFFF086;
	s6 =	sadd.s32 @!p0 s3, s7;
	s7 =	simm.s32 @!p0 $0x108  }
0x21: {  	s3 =	sadd.s32 s3, s9;
	s6 =	sadd.s32 @!p0 $0x88, s6;
	s7 =	simm.s32 @p2 $0x1082  }
0x22: {  	[simem:s7], [sflag:s8] =	dma.local @!p0 [hbm:s6], $0xF7A  }
0x23: {  	s9 =	sor.u32 $0xD0000000, s2;
	s6 =	simm.s32 $0x108;
	_ =	swait.ge @!p0 [sflag:s8], $0x0  }
0x24: {  	s3 =	sadd.s32 $0x88, s3;
	s6 =	simm.s32 @!p1 $0x1082;
	[sflag:s4] =	ssyncset.s32 $0xFFFFF086  }
0x25: {  	[simem:s6], [sflag:s4] =	dma.local [hbm:s3], $0xF7A  }
0x26: {  	[smem:$0x3F9D] =	sst s1;
	(tag) =	ssettag s2;
	_ =	strace s9  }
0x27: {  	s1 =	sld [smem:$0x3FAD]  }
0x28: {  	s2 =	sld [smem:$0x3FAE]  }
0x29: {  	s4 =	sld [smem:$0x3FB0]  }
0x2a: {  	p0 =	seq.s32 s5, $0x0;
	s5 =	sld [smem:$0x3FB1]  }
0x2b: {  	s6 =	sld [smem:$0x3FB2]  }
0x2c: {  	s7 =	sld [smem:$0x3FB3]  }
0x2d: {  	s3 =	simm.s32 $0x108;
	s8 =	sld [smem:$0x3FB4]  }
0x2e: {  	s3 =	simm.s32 @!p0 $0x1082;
	s9 =	sld [smem:$0x3FB5]  }
0x2f: {  	lr =	sadd.s32 s0, s3;
	s0 =	sld [smem:$0x3FAC]  }
0x30: {  	s3 =	sld [smem:$0x3FAF]  }
0x31: {  	[smem:$0x3FB8] =	sst s10  }
0x32: {  	s10 =	sld [smem:$0x3FB6];
	_ =	sdelay $0x3  }
0x33: {  	p0 =	seq.s32 s10, $0x1;
	s10 =	sld [smem:$0x3FB8];
	_ =	sdelay $0x3  }
0x34: {  	[smem:$0x3FB8] =	sst s10  }
0x35: {  	s10 =	sld [smem:$0x3FB7];
	_ =	sdelay $0x3  }
0x36: {  	p1 =	seq.s32 s10, $0x1;
	s10 =	sld [smem:$0x3FB8];
	_ =	sdelay $0x3  }
0x37: {  	[smem:$0x3FB8] =	sst s10  }
0x38: {  	s10 =	sld [smem:$0x3FB9]  }
0x39: {  	_ = 	snop;
	(pc) =	sbr.ind lr, $3  }
0x3a: {  	_ = 	snop  }
0x3b: {  	_ = 	snop  }
0x3c: {  	p2 =	seq.s32 s10, $0x1;
	s10 =	sld [smem:$0x3FB8]  }
0x3d: {  	_ =	shalt  }
0x3e: {  	_ =	shalt  }
0x3f: {  	_ =	shalt  }
0x40: {  	_ =	shalt  }
0x41: {  	_ =	shalt  }
0x42: {  	_ =	shalt  }
0x43: {  	_ =	shalt  }
0x44: {  	_ =	shalt  }
0x45: {  	_ =	shalt  }
0x46: {  	_ =	shalt  }
0x47: {  	_ =	shalt  }
0x48: {  	_ =	shalt  }
0x49: {  	_ =	shalt  }
0x4a: {  	_ =	shalt  }
0x4b: {  	_ =	shalt  }
0x4c: {  	_ =	shalt  }
0x4d: {  	_ =	shalt  }
0x4e: {  	_ =	shalt  }
0x4f: {  	_ =	shalt  }
0x50: {  	_ =	shalt  }
0x51: {  	_ =	shalt  }
0x52: {  	_ =	shalt  }
0x53: {  	_ =	shalt  }
0x54: {  	_ =	shalt  }
0x55: {  	_ =	shalt  }
0x56: {  	_ =	shalt  }
0x57: {  	_ =	shalt  }
0x58: {  	_ =	shalt  }
0x59: {  	_ =	shalt  }
0x5a: {  	_ =	shalt  }
0x5b: {  	_ =	shalt  }
0x5c: {  	_ =	shalt  }
0x5d: {  	_ =	shalt  }
0x5e: {  	_ =	shalt  }
0x5f: {  	_ =	shalt  }
0x60: {  	_ =	shalt  }
0x61: {  	_ =	shalt  }
0x62: {  	_ =	shalt  }
0x63: {  	_ =	shalt  }
0x64: {  	_ =	shalt  }
0x65: {  	_ =	shalt  }
0x66: {  	_ =	shalt  }
0x67: {  	_ =	shalt  }
0x68: {  	_ =	shalt  }
0x69: {  	_ =	shalt  }
0x6a: {  	_ =	shalt  }
0x6b: {  	_ =	shalt  }
0x6c: {  	_ =	shalt  }
0x6d: {  	_ =	shalt  }
0x6e: {  	_ =	shalt  }
0x6f: {  	_ =	shalt  }
0x70: {  	_ =	shalt  }
0x71: {  	_ =	shalt  }
0x72: {  	_ =	shalt  }
0x73: {  	_ =	shalt  }
0x74: {  	_ =	shalt  }
0x75: {  	_ =	shalt  }
0x76: {  	_ =	shalt  }
0x77: {  	_ =	shalt  }
0x78: {  	_ =	shalt  }
0x79: {  	_ =	shalt  }
0x7a: {  	_ =	shalt  }
0x7b: {  	_ =	shalt  }
0x7c: {  	_ =	shalt  }
0x7d: {  	_ =	shalt  }
0x7e: {  	_ =	shalt  }
0x7f: {  	_ =	shalt  }
0x80: {  	_ =	shalt  }
0x81: {  	_ =	shalt  }
0x82: {  	_ =	shalt  }
0x83: {  	_ =	shalt  }
0x84: {  	_ =	shalt  }
0x85: {  	_ =	shalt  }
0x86: {  	_ =	shalt  }
0x87: {  	_ =	shalt  }
.Lfunc_end0:
.L_simem_size_0:
called_computation.1_lowered:
.L_overlay_start_0:
0x88: {  	s2 =	sld [smem:$0x3FD9]  }
0x89: {  	s3 =	sld [smem:$0x3FFE];
	_ =	sdelay $0x1  }
0x8a: {  	s1 =	srdreg.scid  }
0x8b: {  	s0 =	sand.u32 $0x1, s1  }
0x8c: {  	s17 =	sshll.u32 s0, $0xA;
	s2 =	sadd.s32 s3, s2  }
0x8d: {  	s2 =	sadd.s32 s2, s17  }
0x8e: {  	[smem:$0x3FC4] =	sst s2  }
0x8f: {  	_ = 	snop  }
0x90: {  	s2 =	sld [smem:$0x3FC9]  }
0x91: {  	s18 =	sld [smem:$0x3FC6]  }
0x92: {  	s4 =	sld [smem:$0x3FD0];
	(tm) =	ssettm $0x1  }
0x93: {  	s5 =	sld [smem:$0x3FFB];
	_ =	sdelay $0x3  }
0x94: {  	_ =	strace s5  }
0x95: {  	s5 =	sld [smem:$0x3FFC];
	_ =	sdelay $0x3  }
0x96: {  	_ =	strace s5  }
0x97: {  	s5 =	sld [smem:$0x3FFD];
	_ =	sdelay $0x3  }
0x98: {  	_ =	strace s5  }
0x99: {  	_ =	strace $0x8FFFFFFF  }
0x9a: {  	s19 =	sld [smem:$0x3FDB];
	_ =	sdelay $0x1  }
0x9b: {  	s6 =	simm.s32 $_scs_section_size  }
0x9c: {  	s7 =	simm.s32 $_size__tile_overlayer_lowered;
	s8 =	simm.s32 $_tile_overlayer_lowered  }
0x9d: {  	s22 =	simm.s32 $0x1BFF;
	s21 =	sshll.u32 s8, $0x1;
	s5 =	sadd.s32 s6, s19  }
0x9e: {  	s9 =	simm.s32 $0x0;
	s20 =	sshll.u32 s7, $0x1;
	s7 =	sadd.s32 s21, s5  }
0x9f: {  	[timem:s9], [sflag:s22] =	dma.local [hbm:s7], s20  }
0xa0: {  	_ =	swait.ge [sflag:s22], s20  }
0xa1: {  	s6 =	ssub.s32 $0x0, s20;
	[sflag:s22] =	ssyncset.done $0x0  }
0xa2: {  	[sflag:s22] =	ssyncadd.s32 s6;
	_ =	sdelay $0x1  }
0xa3: {  	s23 =	simm.s32 $0x1B8B  }
0xa4: {  	_ =	swait.ge [sflag:s23], $0x1  }
0xa5: {  	[sflag:s23] =	ssyncset.done $0x0  }
0xa6: {  	s25 =	simm.s32 $0x1B8E;
	s24 =	sld [smem:$0x3FFE];
	[sflag:s23] =	ssyncadd.s32 $0xFFFFFFFF  }
0xa7: {  	s26 =	simm.s32 $execute0_lowered;
	[smem:$0x3FD2] =	sst s25  }
0xa8: {  	s7 =	sshll.u32 s26, $0x1;
	_ =	strace $0x80000046;
	[dreg:$0x1] =	wrdreg $0xFFFFFFFF  }
0xa9: {  	s28 =	simm.s32 $_size_execute0_lowered;
	s5 =	sadd.s32 s5, s7;
	[dreg:$0x0] =	wrdreg $0x0  }
0xaa: {  	s7 =	sshll.u32 s28, $0x1;
	[dreg:$0x2] =	wrdreg s5  }
0xab: {  	[dreg:$0x3] =	wrdreg s7  }
0xac: {  	[dreg:$0x4] =	wrdreg $0xC0  }
0xad: {  	_ =	task [dreg:s9], $0x5FFFF  }
0xae: {  	[dreg:$0x1] =	wrdreg $0xFFFFFFFF  }
0xaf: {  	[dreg:$0x0] =	wrdreg $0x60  }
0xb0: {  	[dreg:$0x2] =	wrdreg s2  }
0xb1: {  	[dreg:$0x3] =	wrdreg s24  }
0xb2: {  	[dreg:$0x4] =	wrdreg s18  }
0xb3: {  	[dreg:$0x5] =	wrdreg s4  }
0xb4: {  	[dreg:$0x6] =	wrdreg $0x9  }
0xb5: {  	_ =	task.clear_ibuf [dreg:s9], $0x7FFFF;
	_ =	strace $0x90000046  }
0xb6: {  	s29 =	simm.s32 $0x9;
	_ =	strace $0x80000048  }
0xb7: {  	_ =	swait.ge [sflag:s29], $0x1  }
0xb8: {  	[sflag:s29] =	ssyncadd.s32 $0xFFFFFFFF  }
0xb9: {  	_ =	strace $0x90000048  }
0xba: {  	_ =	sfence  }
0xbb: {  	s30 =	sld [smem:$0x0];
	_ =	sdelay $0x2  }
0xbc: {  	s31 =	sshll.u32 s1, $0xD;
	s1 =	sshrl.u32 s1, $0x2  }
0xbd: {  	s3 =	sand.u32 $0x4000, s31;
	s1 =	sadd.s32 s1, s30  }
0xbe: {  	s0 =	sor.u32 s3, s0;
	s1 =	sshll.u32 s1, $0x11  }
0xbf: {  	s0 =	sor.u32 s1, s0  }
0xc0: {  	s0 =	sadd.s32 $0x8F2B, s0  }
0xc1: {  	[sflag:s0] =	ssyncadd.remote.s32 $0x1  }
0xc2: {  	_ =	sfence.sel $0xFFFF  }
0xc3: {  	[dreg:$0x0] =	wrdreg $0xFFFFFFFF;
	(pc) =	sbr.abs _section_cstart, $3  }
0xc4: {  	[dreg:$0x1] =	wrdreg $0xFFFFFFFF  }
0xc5: {  	_ =	task.clear_ibuf [dreg:s9], $0x2FFFF;
	_ =	strace $0x9FFFFFFF  }
0xc6: {  	(tm) =	ssettm $0x7FFFFFFF  }
0xc7: {  	_ =	shalt  }
tec
execute0_lowered:
.L_overlay_start_1:
0x0: {  	(tag) =	ssettag $0x1  }
0x1: {  	s0 =	rddreg [dreg:$0x0]  }
0x2: {  	v0 =	vimm.s32 $0xFEDCBA98;
	s7 =	rddreg [dreg:$0x1]  }
0x3: {  	v1 =	vimm.s32 $0x76543210;
	s1 =	rddreg [dreg:$0x2];
	v2 =	vimm.s32 $0xBA98FEDC;
	v3 =	vimm.s32 $0x32107654  }
0x4: {  	s3 =	rddreg [dreg:$0x3];
	v4 =	vimm.s32 $0xDCFE98BA;
	v5 =	vimm.s32 $0x54761032;
	v6 =	vimm.s32 $0xEFCDAB89  }
0x5: {  	s4 =	simm.s32 $0x0;
	s2 =	rddreg [dreg:$0x4];
	v7 =	vimm.s32 $0x67452301;
	v0 =	vunpack.c.l.s4.s8 v0;
	v1 =	vunpack.c.l.s4.s8 v1  }
0x6: {  	s5 =	srdreg.scid;
	s12 =	simm.s32 $0x96C8;
	s13 =	simm.s32 $0xC8;
	v2 =	vunpack.c.l.s4.s8 v2;
	v3 =	vunpack.c.l.s4.s8 v3;
	v4 =	vunpack.c.l.s4.s8 v4  }
0x7: {  	s14 =	simm.s32 $0x1;
	s15 =	simm.s32 $0x32C8;
	s16 =	simm.s32 $0x0;
	v5 =	vunpack.c.l.s4.s8 v5;
	v6 =	vunpack.c.l.s4.s8 v6;
	v7 =	vunpack.c.l.s4.s8 v7  }
0x8: {  	[smem:$0x7FF] =	sst s4;
	s8 =	sand.u32 $0x1, s5;
	s5 =	stileid.u32;
	v0 =	vunpack.c.0.s8.s32 v0;
	v1 =	vunpack.c.0.s8.s32 v1;
	v2 =	vunpack.c.0.s8.s32 v2  }
0x9: {  	s6 =	sadd.s32 $0xF42E00, s7;
	s7 =	sadd.s32 $0xA00, s7;
	s9 =	ssub.s32 $0x2, s8;
	v3 =	vunpack.c.0.s8.s32 v3;
	v4 =	vunpack.c.0.s8.s32 v4;
	v5 =	vunpack.c.0.s8.s32 v5  }
0xa: {  	_ =	strace $0x80000047;
	s11 =	sshll.u32 s5, $0x1;
	s10 =	sshrl.u32 s9, $0x1;
	v6 =	vunpack.c.0.s8.s32 v6;
	v7 =	vunpack.c.0.s8.s32 v7;
	v0 =	vand.u32 $0xF, v0  }
0xb: {  	s8 =	sor.u32 s8, s11;
	s11 =	simm.s32 $0x2;
	s9 =	ssub.s32 s9, s10;
	v0 =	vcombine.low v0, v1;
	v1 =	vcombine.low v3, v2  }
0xc: {  	s8 =	smul.u32 $0x6400, s8;
	s10 =	simm.s32 $0x64C8;
	s9 =	smax.u32 s9, $0x1;
	v2 =	vcombine.low v5, v4;
	v3 =	vcombine.low v7, v6  }
.LBB2_1:
0xd: {  	[tilespmem:s10], [sflag:$0x2] =	stream.linear.gather [hbm4b:s7+s4], $0x3200, $0x38;
	[tilespmem:$0x9708] =	vst v63  }
0xe: {  	_ =	swait.ge [sflag:s11], $0x3200  }
0xf: {  	[sflag:s11] =	ssyncset.done $0x0  }
0x10: {  	[sflag:s11] =	ssyncadd.s32 $0xFFFFCE00  }
0x11: {  	[tilespmem:s12], [sflag:$0x2] =	stream.linear.gather [hbm4b:s1+s4], $0x40, $0x38;
	[tilespmem:$0x9708] =	vst v63  }
0x12: {  	_ =	swait.ge [sflag:s11], $0x40  }
0x13: {  	[sflag:s11] =	ssyncset.done $0x0  }
0x14: {  	[sflag:s11] =	ssyncadd.s32 $0xFFFFFFC0  }
0x15: {  	v4 =	vld [tilespmem:$0x96C8]  }
0x16: {  	v5 =	vld [tilespmem:$0x96D8]  }
0x17: {  	v6 =	vld [tilespmem:$0x96E8]  }
0x18: {  	v7 =	vld [tilespmem:$0x96F8];
	_ =	sdelay $0x3  }
0x19: {  	v4 =	vmul.f32 $8.000000000e+00, v4;
	v5 =	vmul.f32 $8.000000000e+00, v5  }
0x1a: {  	s17 =	simm.s32 $0x0;
	v6 =	vmul.f32 $8.000000000e+00, v6;
	v7 =	vmul.f32 $8.000000000e+00, v7  }
.LBB2_2:
0x1b: {  	s18 =	smul.u32 $0xC8, s17;
	_ =	sdelay $0x1  }
0x1c: {  	s18 =	sadd.s32 s8, s18  }
0x1d: {  	s19 =	sshrl.u32 s18, $0x3  }
0x1e: {  	s20 =	simm.s32 $0x0;
	s19 =	sadd.s32 s0, s19  }
0x1f: {  	[tilespmem:s20], [sflag:$0x2] =	stream.linear.gather [hbm4b:s19+s20], $0xC8, $0x38;
	[tilespmem:$0x9708] =	vst v63  }
0x20: {  	_ =	swait.ge [sflag:s11], $0xC8  }
0x21: {  	[sflag:s11] =	ssyncset.done $0x0  }
0x22: {  	[sflag:s11] =	ssyncadd.s32 $0xFFFFFF38  }
0x23: {  	[tilespmem:s13], [sflag:$0x1] =	stream.indirect.gather [hbm4b:s6+s13], $0x40, s20, s13, $0xb8;
	[tilespmem:$0x9708] =	vst v63  }
0x24: {  	_ =	swait.ge [sflag:s14], $0x3200  }
0x25: {  	[sflag:s14] =	ssyncset.done $0x0  }
0x26: {  	s22 =	simm.s32 $0x0;
	[sflag:s14] =	ssyncadd.s32 $0xFFFFCE00  }
0x27: {  	v8 =	vld [tilespmem:s22+$0xC8]  }
0x28: {  	v9 =	vld [tilespmem:s22+$0x64C8]  }
0x29: {  	v10 =	vld [tilespmem:s22+$0xD8]  }
0x2a: {  	v11 =	vld [tilespmem:s22+$0x64D8]  }
0x2b: {  	v12 =	vld [tilespmem:s22+$0xE8]  }
0x2c: {  	v13 =	vld [tilespmem:s22+$0x64E8]  }
0x2d: {  	v14 =	vld [tilespmem:s22+$0xF8]  }
0x2e: {  	v15 =	vld [tilespmem:s22+$0x64F8]  }
0x2f: {  	v25 =	vadd.f32 v9, v8;
	v28 =	vadd.f32 v11, v10;
	_ =	sdelay $0x1  }
0x30: {  	v31 =	vadd.f32 v13, v12;
	v8 =	vmul.f32 v25, v25;
	v9 =	vmul.f32 v28, v28;
	_ =	sdelay $0x1  }
0x31: {  	v20 =	vadd.f32 v15, v14;
	v8 =	vadd.f32 v9, v8;
	v9 =	vmul.f32 v31, v31;
	_ =	sdelay $0x1  }
0x32: {  	s19 =	simm.s32 $0x40;
	v8 =	vadd.f32 v9, v8;
	v9 =	vmul.f32 v20, v20  }
0x33: {  	v10 =	vld [tilespmem:s19+$0xC8]  }
0x34: {  	v11 =	vld [tilespmem:s19+$0x64C8];
	v8 =	vadd.f32 v9, v8  }
0x35: {  	v12 =	vld [tilespmem:s19+$0xD8]  }
0x36: {  	v13 =	vld [tilespmem:s19+$0x64D8];
	v9 =	vperm.xlane v8, v0  }
0x37: {  	v14 =	vld [tilespmem:s19+$0xE8]  }
0x38: {  	v15 =	vld [tilespmem:s19+$0x64E8];
	v8 =	vadd.f32 v8, v9  }
0x39: {  	v16 =	vld [tilespmem:s19+$0xF8]  }
0x3a: {  	v17 =	vld [tilespmem:s19+$0x64F8];
	v18 =	vperm.xlane v8, v1  }
0x3b: {  	v9 =	vadd.f32 v11, v10;
	v10 =	vadd.f32 v13, v12  }
0x3c: {  	v11 =	vadd.f32 v8, v18  }
0x3d: {  	v13 =	vmul.f32 v9, v9;
	v18 =	vmul.f32 v10, v10;
	v8 =	vadd.f32 v15, v14  }
0x3e: {  	v14 =	vperm.xlane v11, v2  }
0x3f: {  	v12 =	vadd.f32 v17, v16;
	v13 =	vadd.f32 v18, v13;
	v15 =	vmul.f32 v8, v8  }
0x40: {  	s20 =	simm.s32 $0x80;
	v11 =	vadd.f32 v11, v14  }
0x41: {  	v21 =	vld [tilespmem:s20+$0xE8];
	v13 =	vadd.f32 v15, v13;
	v14 =	vmul.f32 v12, v12  }
0x42: {  	v18 =	vld [tilespmem:s20+$0x64C8];
	v17 =	vperm.xlane v11, v3  }
0x43: {  	v15 =	vld [tilespmem:s20+$0xC8];
	v13 =	vadd.f32 v14, v13  }
0x44: {  	v14 =	vld [tilespmem:s20+$0xD8];
	v11 =	vadd.f32 v11, v17  }
0x45: {  	v17 =	vld [tilespmem:s20+$0x64D8];
	v19 =	vperm.xlane v13, v0  }
0x46: {  	v22 =	vld [tilespmem:s20+$0x64E8];
	v11 =	vadd.f32 $6.399999960e-07, v11  }
0x47: {  	v23 =	vld [tilespmem:s20+$0x64F8];
	v19 =	vadd.f32 v13, v19  }
0x48: {  	v16 =	vld [tilespmem:s20+$0xF8];
	v24 =	vshrl.u32 v11, $0x1;
	v26 =	vmul.f32 $5.000000000e-01, v11  }
0x49: {  	v13 =	vadd.f32 v18, v15;
	v15 =	vperm.xlane v19, v1;
	v18 =	vsub.s32 $0x5F3759DF, v24  }
0x4a: {  	v11 =	vadd.f32 v17, v14;
	v17 =	vmul.f32 v18, v26  }
0x4b: {  	v24 =	vmul.f32 v13, v13;
	v19 =	vadd.f32 v19, v15  }
0x4c: {  	v14 =	vadd.f32 v22, v21;
	v27 =	vmul.f32 v11, v11;
	v17 =	vmul.f32 v18, v17  }
0x4d: {  	v15 =	vadd.f32 v23, v16;
	v16 =	vperm.xlane v19, v2  }
0x4e: {  	v22 =	vmul.f32 v14, v14;
	v21 =	vadd.f32 v27, v24;
	v17 =	vsub.f32 $1.500000000e+00, v17  }
0x4f: {  	s21 =	simm.s32 $0xC0;
	v16 =	vadd.f32 v19, v16  }
0x50: {  	v29 =	vld [tilespmem:s21+$0xE8];
	v21 =	vadd.f32 v22, v21;
	v22 =	vmul.f32 v15, v15;
	v17 =	vmul.f32 v18, v17  }
0x51: {  	v24 =	vld [tilespmem:s21+$0x64C8];
	v23 =	vperm.xlane v16, v3  }
0x52: {  	v18 =	vld [tilespmem:s21+$0xC8];
	v21 =	vadd.f32 v22, v21;
	v22 =	vmul.f32 v17, v26  }
0x53: {  	v26 =	vld [tilespmem:s21+$0xD8];
	v16 =	vadd.f32 v16, v23  }
0x54: {  	v23 =	vld [tilespmem:s21+$0x64D8];
	v27 =	vperm.xlane v21, v0;
	v22 =	vmul.f32 v22, v17  }
0x55: {  	v32 =	vld [tilespmem:s21+$0x64E8];
	v30 =	vadd.f32 $6.399999960e-07, v16  }
0x56: {  	v19 =	vld [tilespmem:s21+$0xF8];
	v21 =	vadd.f32 v21, v27;
	v22 =	vsub.f32 $1.500000000e+00, v22  }
0x57: {  	v16 =	vadd.f32 v24, v18;
	v24 =	vld [tilespmem:s21+$0x64F8];
	v18 =	vshrl.u32 v30, $0x1;
	v27 =	vmul.f32 $5.000000000e-01, v30  }
0x58: {  	v30 =	vperm.xlane v21, v1;
	v33 =	vsub.s32 $0x5F3759DF, v18;
	v34 =	vmul.f32 v22, v17  }
0x59: {  	v17 =	vadd.f32 v23, v26;
	v22 =	vmul.f32 v33, v27  }
0x5a: {  	v23 =	vmul.f32 v16, v16;
	v21 =	vadd.f32 v21, v30;
	v26 =	vmul.f32 v34, v7  }
0x5b: {  	v18 =	vadd.f32 v32, v29;
	v30 =	vmul.f32 v17, v17;
	v22 =	vmul.f32 v33, v22  }
0x5c: {  	v19 =	vadd.f32 v24, v19;
	v24 =	vperm.xlane v21, v2;
	v20 =	vmul.f32 v26, v20  }
0x5d: {  	v23 =	vadd.f32 v30, v23;
	v26 =	vmul.f32 v18, v18;
	v22 =	vsub.f32 $1.500000000e+00, v22  }
0x5e: {  	s23 =	simm.s32 $0x100;
	v29 =	vmul.f32 v34, v4;
	v62 =	vmul.f32 v34, v5;
	v30 =	vadd.f32 v21, v24;
	[tilespmem:s22+$0x32F8] =	vst v20  }
0x5f: {  	v24 =	vmul.f32 v19, v19;
	v23 =	vadd.f32 v26, v23;
	v20 =	vmul.f32 v33, v22;
	v21 =	vld [tilespmem:s23+$0xF8]  }
0x60: {  	v34 =	vmul.f32 v34, v6;
	v22 =	vld [tilespmem:s23+$0xC8];
	v63 =	vperm.xlane v30, v3  }
0x61: {  	v29 =	vmul.f32 v29, v25;
	v26 =	vld [tilespmem:s23+$0x64C8];
	v24 =	vadd.f32 v24, v23;
	v23 =	vmul.f32 v20, v27  }
0x62: {  	s24 =	simm.s32 $0x500;
	v25 =	vld [tilespmem:s23+$0xD8];
	v27 =	vadd.f32 v30, v63;
	v30 =	vmul.f32 v62, v28;
	v28 =	vmul.f32 v34, v31  }
.LBB2_3:
0x63: {  	p0 =	sne.s32 s24, $0xC700;
	v31 =	vld [tilespmem:s23+$0x64D8];
	v32 =	vperm.xlane v24, v0;
	v23 =	vmul.f32 v23, v20;
	[tilespmem:s22+$0x32C8] =	vst v29;
	v33 =	vmovc v16;
	v34 =	vmov v10  }
0x64: {  	v10 =	vmovc v11;
	v11 =	vmovc v17;
	v35 =	vmov v8;
	v8 =	vmov v14;
	v29 =	vld [tilespmem:s23+$0xE8];
	v27 =	vadd.f32 $6.399999960e-07, v27;
	[tilespmem:s22+$0x32D8] =	vst v30  }
0x65: {  	v14 =	vmov v18;
	v30 =	vld [tilespmem:s23+$0x64E8];
	v24 =	vadd.f32 v24, v32;
	v17 =	vsub.f32 $1.500000000e+00, v23;
	[tilespmem:s22+$0x32E8] =	vst v28;
	s22 =	smov.u32 s19;
	s19 =	smov.u32 s20;
	s20 =	smov.u32 s21  }
0x66: {  	s21 =	smov.u32 s23;
	v16 =	vadd.f32 v26, v22;
	v22 =	vld [tilespmem:s23+$0x64F8];
	v18 =	vshrl.u32 v27, $0x1;
	v23 =	vmul.f32 $5.000000000e-01, v27  }
0x67: {  	v26 =	vperm.xlane v24, v1;
	v27 =	vsub.s32 $0x5F3759DF, v18;
	v28 =	vmul.f32 v17, v20  }
0x68: {  	v17 =	vadd.f32 v31, v25;
	v20 =	vmul.f32 v27, v23  }
0x69: {  	v25 =	vmul.f32 v16, v16;
	v24 =	vadd.f32 v24, v26;
	v26 =	vmul.f32 v28, v7  }
0x6a: {  	v31 =	vmul.f32 v17, v17;
	v18 =	vadd.f32 v30, v29;
	v20 =	vmul.f32 v27, v20  }
0x6b: {  	v22 =	vadd.f32 v22, v21;
	v21 =	vperm.xlane v24, v2;
	v26 =	vmul.f32 v26, v12;
	v12 =	vmovc v15  }
0x6c: {  	v15 =	vmovc v19;
	v25 =	vadd.f32 v31, v25;
	v29 =	vmul.f32 v18, v18;
	v20 =	vsub.f32 $1.500000000e+00, v20  }
.Ltmp0:
0x6d: {  	s23 =	sshra.s32 s24, $0x2;
	v32 =	vmul.f32 v28, v5;
	v31 =	vmul.f32 v28, v4;
	v30 =	vadd.f32 v24, v21;
	[tilespmem:s22+$0x32F8] =	vst v26;
	(pc) =	sbr.rel @p0 .LBB2_3-.Ltmp0, $4  }
0x6e: {  	v19 =	vmovc v22;
	v21 =	vld [tilespmem:s23+$0xF8];
	v24 =	vadd.f32 v29, v25;
	v25 =	vmul.f32 v22, v22;
	v20 =	vmul.f32 v27, v20  }
0x6f: {  	v28 =	vmul.f32 v28, v6;
	v22 =	vld [tilespmem:s23+$0xC8];
	v27 =	vperm.xlane v30, v3  }
0x70: {  	v29 =	vmul.f32 v31, v9;
	v9 =	vmovc v13;
	v26 =	vld [tilespmem:s23+$0x64C8];
	v24 =	vadd.f32 v25, v24;
	v23 =	vmul.f32 v20, v23  }
0x71: {  	s24 =	sadd.s32 $0x100, s24;
	v28 =	vmul.f32 v28, v35;
	v13 =	vmovc v33;
	v25 =	vld [tilespmem:s23+$0xD8];
	v27 =	vadd.f32 v30, v27;
	v30 =	vmul.f32 v32, v34  }
0x72: {  	v31 =	vld [tilespmem:s23+$0x64D8];
	[tilespmem:s22+$0x32C8] =	vst v29  }
0x73: {  	v29 =	vld [tilespmem:s23+$0xE8];
	[tilespmem:s22+$0x32D8] =	vst v30  }
0x74: {  	v30 =	vld [tilespmem:s23+$0x64E8]  }
0x75: {  	[tilespmem:s22+$0x32E8] =	vst v28  }
0x76: {  	v28 =	vld [tilespmem:s23+$0x64F8]  }
0x77: {  	v22 =	vadd.f32 v26, v22;
	v25 =	vadd.f32 v31, v25;
	_ =	sdelay $0x1  }
0x78: {  	v26 =	vmul.f32 v22, v22;
	v31 =	vmul.f32 v25, v25;
	v29 =	vadd.f32 v30, v29  }
0x79: {  	v57 =	vperm.xlane v24, v0  }
0x7a: {  	v21 =	vadd.f32 v28, v21;
	v26 =	vadd.f32 v31, v26;
	v56 =	vmul.f32 v29, v29  }
0x7b: {  	v24 =	vadd.f32 v24, v57  }
0x7c: {  	v58 =	vmul.f32 v21, v21;
	v26 =	vadd.f32 v56, v26  }
0x7d: {  	v59 =	vperm.xlane v24, v1  }
0x7e: {  	v26 =	vadd.f32 v58, v26  }
0x7f: {  	v24 =	vadd.f32 v24, v59  }
0x80: {  	v60 =	vperm.xlane v26, v0  }
0x81: {  	v28 =	vperm.xlane v24, v2  }
0x82: {  	v26 =	vadd.f32 v26, v60  }
0x83: {  	v24 =	vadd.f32 v24, v28  }
0x84: {  	v30 =	vperm.xlane v26, v1  }
0x85: {  	v27 =	vadd.f32 $6.399999960e-07, v27;
	v62 =	vperm.xlane v24, v3  }
0x86: {  	v26 =	vadd.f32 v26, v30  }
0x87: {  	v61 =	vshrl.u32 v27, $0x1;
	v27 =	vmul.f32 $5.000000000e-01, v27;
	v24 =	vadd.f32 v24, v62  }
0x88: {  	v28 =	vsub.s32 $0x5F3759DF, v61;
	v63 =	vperm.xlane v26, v2  }
0x89: {  	v32 =	vmul.f32 v28, v27;
	v24 =	vadd.f32 $6.399999960e-07, v24  }
0x8a: {  	v26 =	vadd.f32 v26, v63  }
0x8b: {  	v36 =	vmul.f32 v28, v32;
	v37 =	vshrl.u32 v24, $0x1;
	v24 =	vmul.f32 $5.000000000e-01, v24  }
0x8c: {  	v32 =	vsub.s32 $0x5F3759DF, v37;
	v31 =	vperm.xlane v26, v3  }
0x8d: {  	v23 =	vmul.f32 v23, v20;
	v38 =	vmul.f32 v32, v24;
	v30 =	vsub.f32 $1.500000000e+00, v36  }
0x8e: {  	v26 =	vadd.f32 v26, v31  }
0x8f: {  	v23 =	vsub.f32 $1.500000000e+00, v23;
	v42 =	vmul.f32 v32, v38;
	v28 =	vmul.f32 v28, v30  }
0x90: {  	v40 =	vadd.f32 $6.399999960e-07, v26  }
0x91: {  	v39 =	vmul.f32 v23, v20;
	v41 =	vmul.f32 v28, v27;
	v27 =	vsub.f32 $1.500000000e+00, v42  }
0x92: {  	v44 =	vshrl.u32 v40, $0x1;
	v23 =	vmul.f32 $5.000000000e-01, v40  }
0x93: {  	v43 =	vmul.f32 v39, v7;
	v27 =	vmul.f32 v32, v27;
	v31 =	vsub.s32 $0x5F3759DF, v44  }
0x94: {  	v33 =	vmul.f32 v39, v4;
	v45 =	vmul.f32 v31, v23  }
0x95: {  	v24 =	vmul.f32 v27, v24;
	v26 =	vmul.f32 v41, v28  }
0x96: {  	v46 =	vmul.f32 v39, v5;
	v30 =	vmul.f32 v31, v45  }
0x97: {  	v20 =	vmul.f32 v39, v6;
	v24 =	vmul.f32 v24, v27;
	v26 =	vsub.f32 $1.500000000e+00, v26  }
0x98: {  	v12 =	vmul.f32 v43, v12;
	v9 =	vmul.f32 v33, v9;
	v47 =	vsub.f32 $1.500000000e+00, v30  }
0x99: {  	v10 =	vmul.f32 v46, v10;
	v49 =	vsub.f32 $1.500000000e+00, v24;
	v26 =	vmul.f32 v26, v28  }
0x9a: {  	v8 =	vmul.f32 v20, v8;
	v28 =	vmul.f32 v31, v47  }
0x9b: {  	v20 =	vmul.f32 v49, v27;
	v48 =	vmul.f32 v26, v7  }
0x9c: {  	[tilespmem:s19+$0x32F8] =	vst v12;
	v50 =	vmul.f32 v26, v4;
	v23 =	vmul.f32 v28, v23  }
0x9d: {  	[tilespmem:s19+$0x32C8] =	vst v9;
	v51 =	vmul.f32 v26, v5;
	v52 =	vmul.f32 v26, v6  }
0x9e: {  	[tilespmem:s19+$0x32D8] =	vst v10;
	v15 =	vmul.f32 v48, v15;
	v23 =	vmul.f32 v23, v28  }
0x9f: {  	[tilespmem:s19+$0x32E8] =	vst v8;
	v53 =	vmul.f32 v20, v7;
	v8 =	vmul.f32 v50, v13  }
0xa0: {  	v55 =	vmul.f32 v20, v4;
	v9 =	vmul.f32 v51, v11;
	[tilespmem:s20+$0x32F8] =	vst v15;
	v54 =	vsub.f32 $1.500000000e+00, v23  }
0xa1: {  	v56 =	vmul.f32 v20, v5;
	v10 =	vmul.f32 v52, v14;
	[tilespmem:s20+$0x32C8] =	vst v8  }
0xa2: {  	v8 =	vmul.f32 v53, v19;
	[tilespmem:s20+$0x32D8] =	vst v9;
	v11 =	vmul.f32 v54, v28  }
0xa3: {  	v57 =	vmul.f32 v20, v6;
	v12 =	vmul.f32 v55, v16;
	[tilespmem:s20+$0x32E8] =	vst v10  }
0xa4: {  	[tilespmem:s21+$0x32F8] =	vst v8;
	v8 =	vmul.f32 v56, v17;
	v58 =	vmul.f32 v11, v7  }
0xa5: {  	v10 =	vmul.f32 v57, v18;
	[tilespmem:s21+$0x32C8] =	vst v12;
	v59 =	vmul.f32 v11, v4  }
0xa6: {  	[tilespmem:s21+$0x32D8] =	vst v8;
	v61 =	vmul.f32 v11, v6;
	v8 =	vmul.f32 v58, v21  }
0xa7: {  	[tilespmem:s21+$0x32E8] =	vst v10;
	v60 =	vmul.f32 v11, v5;
	v62 =	vmul.f32 v59, v22  }
0xa8: {  	v63 =	vmul.f32 v61, v29;
	[tilespmem:s23+$0x32F8] =	vst v8  }
0xa9: {  	s17 =	sadd.s32 $0x1, s17;
	v8 =	vmul.f32 v60, v25;
	[tilespmem:s23+$0x32C8] =	vst v62  }
0xaa: {  	s18 =	sshll.u32 s18, $0x3;
	p0 =	sne.s32 s17, $0x80;
	[tilespmem:s23+$0x32E8] =	vst v63  }
.Ltmp1:
0xab: {  	s18 =	sadd.s32 s3, s18;
	[tilespmem:s23+$0x32D8] =	vst v8;
	(pc) =	sbr.rel @p0 .LBB2_2-.Ltmp1, $4  }
0xac: {  	[hbm4b:s18+s4] =	stream.linear.scatter [tilespmem:s15], [sflag:$0x2], $0x3200, $0x38;
	[tilespmem:$0x9708] =	vst v63  }
0xad: {  	_ =	swait.ge [sflag:s11], $0x3200  }
0xae: {  	[sflag:s11] =	ssyncset.done $0x0  }
0xaf: {  	[sflag:s11] =	ssyncadd.s32 $0xFFFFCE00  }
0xb0: {  	s16 =	sadd.s32 $0x1, s16  }
0xb1: {  	p0 =	sne.s32 s16, s9  }
.Ltmp2:
0xb2: {  	_ = 	snop;
	(pc) =	sbr.rel @p0 .LBB2_1-.Ltmp2, $1  }
0xb3: {  	_ =	sdelay $0x3  }
0xb4: {  	_ =	sfence.sel $0x180000  }
0xb5: {  	[bflag:$0x0] =	sbarrier.arrive $0xFFFF  }
0xb6: {  	p0 =	sne.s32 s5, $0x0;
	_ =	strace $0x90000047  }
0xb7: {  	s0 =	sadd.s32 @!p0 $0x100000, s2;
	[bflag:$0x2] =	sbarrier.arrive $0xFFFF  }
0xb8: {  	[sflag:s0] =	ssyncadd.tile.s32 @!p0 $0x1;
	_ =	shalt  }
.Lfunc_end2:
_tile_overlayer_lowered:
.L_overlay_start_2:
0xb9: {  	(tag) =	ssettag $0x2  }
0xba: {  	s0 =	rddreg [dreg:$0x0];
	s2 =	stileid.u32  }
0xbb: {  	s1 =	rddreg [dreg:$0x1];
	p0 =	sne.s32 s2, $0x0  }
0xbc: {  	s3 =	rddreg [dreg:$0x2];
	[bflag:$0x3] =	sbarrier.arrive $0xFFFF;
	s2 =	simm.s32 @!p0 $0x1C02  }
0xbd: {  	[timem:s3], [sflag:s2] =	dma.local @!p0 [hbm:s0], s1  }
0xbe: {  	s0 =	simm.s32 @!p0 $0x2  }
0xbf: {  	_ =	swait.ge @!p0 [sflag:s0], s1  }
0xc0: {  	s1 =	ssub.s32 @!p0 $0x0, s1;
	[sflag:s0] =	ssyncset.done @!p0 $0x0  }
0xc1: {  	[sflag:s0] =	ssyncadd.s32 @!p0 s1  }
0xc2: {  	[bflag:$0x3] =	sbarrier.arrive $0xFFFF  }
0xc3: {  	_ =	shalt  }

// kernel: sparse-core-data-format-call.cloned.1.call-start
scs
called_computation_lowered:
.L_overlay_start_0:
0x0: {  	s2 =	sld [smem:$0x3FD9]  }
0x1: {  	s3 =	sld [smem:$0x3FFE];
	_ =	sdelay $0x1  }
0x2: {  	s1 =	srdreg.scid  }
0x3: {  	s0 =	sand.u32 $0x1, s1  }
0x4: {  	s18 =	sshll.u32 s0, $0xA;
	s2 =	sadd.s32 s3, s2  }
0x5: {  	s2 =	sadd.s32 s2, s18  }
0x6: {  	[smem:$0x3FC4] =	sst s2  }
0x7: {  	_ = 	snop  }
0x8: {  	s2 =	sld [smem:$0x3FD0];
	(tm) =	ssettm $0x1  }
0x9: {  	s19 =	sld [smem:$0x3FFB];
	_ =	sdelay $0x3  }
0xa: {  	_ =	strace s19  }
0xb: {  	s3 =	sld [smem:$0x3FFC];
	_ =	sdelay $0x3  }
0xc: {  	_ =	strace s3  }
0xd: {  	s3 =	sld [smem:$0x3FFD];
	_ =	sdelay $0x3  }
0xe: {  	_ =	strace s3  }
0xf: {  	_ =	strace $0x8FFFFFFF  }
0x10: {  	s20 =	sld [smem:$0x3FDB];
	_ =	sdelay $0x1  }
0x11: {  	s4 =	simm.s32 $_scs_section_size  }
0x12: {  	s5 =	simm.s32 $_size__tile_overlayer_lowered;
	s6 =	simm.s32 $_tile_overlayer_lowered  }
0x13: {  	s23 =	simm.s32 $0x1BFF;
	s22 =	sshll.u32 s6, $0x1;
	s3 =	sadd.s32 s4, s20  }
0x14: {  	s7 =	simm.s32 $0x0;
	s21 =	sshll.u32 s5, $0x1;
	s5 =	sadd.s32 s22, s3  }
0x15: {  	[timem:s7], [sflag:s23] =	dma.local [hbm:s5], s21  }
0x16: {  	_ =	swait.ge [sflag:s23], s21  }
0x17: {  	s4 =	ssub.s32 $0x0, s21;
	[sflag:s23] =	ssyncset.done $0x0  }
0x18: {  	[sflag:s23] =	ssyncadd.s32 s4;
	_ =	sdelay $0x1  }
0x19: {  	s24 =	simm.s32 $0x1B8B  }
0x1a: {  	_ =	swait.ge [sflag:s24], $0x1  }
0x1b: {  	[sflag:s24] =	ssyncset.done $0x0  }
0x1c: {  	s26 =	simm.s32 $0x1B8E;
	s25 =	sld [smem:$0x3FFE];
	[sflag:s24] =	ssyncadd.s32 $0xFFFFFFFF  }
0x1d: {  	s27 =	simm.s32 $execute0_lowered;
	[smem:$0x3FD2] =	sst s26  }
0x1e: {  	s5 =	sshll.u32 s27, $0x1;
	_ =	strace $0x80000049;
	[dreg:$0x1] =	wrdreg $0xFFFFFFFF  }
0x1f: {  	s28 =	simm.s32 $_size_execute0_lowered;
	s3 =	sadd.s32 s3, s5;
	[dreg:$0x0] =	wrdreg $0x0  }
0x20: {  	s5 =	sshll.u32 s28, $0x1;
	[dreg:$0x2] =	wrdreg s3  }
0x21: {  	[dreg:$0x3] =	wrdreg s5  }
0x22: {  	[dreg:$0x4] =	wrdreg $0xC0  }
0x23: {  	_ =	task [dreg:s7], $0x5FFFF  }
0x24: {  	[dreg:$0x1] =	wrdreg $0xFFFFFFFF  }
0x25: {  	[dreg:$0x0] =	wrdreg $0x60  }
0x26: {  	[dreg:$0x2] =	wrdreg s25  }
0x27: {  	[dreg:$0x3] =	wrdreg s2  }
0x28: {  	[dreg:$0x4] =	wrdreg $0x9  }
0x29: {  	_ =	task.clear_ibuf [dreg:s7], $0x5FFFF;
	_ =	strace $0x90000049  }
0x2a: {  	s29 =	simm.s32 $0x9;
	_ =	strace $0x8000004B  }
0x2b: {  	_ =	swait.ge [sflag:s29], $0x1  }
0x2c: {  	[sflag:s29] =	ssyncadd.s32 $0xFFFFFFFF  }
0x2d: {  	_ =	strace $0x9000004B  }
0x2e: {  	_ =	sfence  }
0x2f: {  	s30 =	sld [smem:$0x0];
	_ =	sdelay $0x2  }
0x30: {  	s31 =	sshll.u32 s1, $0xD;
	s1 =	sshrl.u32 s1, $0x2  }
0x31: {  	s3 =	sand.u32 $0x4000, s31;
	s1 =	sadd.s32 s1, s30  }
0x32: {  	s0 =	sor.u32 s3, s0;
	s1 =	sshll.u32 s1, $0x11  }
0x33: {  	s0 =	sor.u32 s1, s0  }
0x34: {  	s0 =	sadd.s32 $0x8F2B, s0  }
0x35: {  	[sflag:s0] =	ssyncadd.remote.s32 $0x1  }
0x36: {  	_ =	sfence.sel $0xFFFF  }
0x37: {  	[dreg:$0x0] =	wrdreg $0xFFFFFFFF;
	(pc) =	sbr.abs _section_cstart, $3  }
0x38: {  	[dreg:$0x1] =	wrdreg $0xFFFFFFFF  }
0x39: {  	_ =	task.clear_ibuf [dreg:s7], $0x2FFFF;
	_ =	strace $0x9FFFFFFF  }
0x3a: {  	(tm) =	ssettm $0x7FFFFFFF  }
0x3b: {  	_ =	shalt  }
tec
execute0_lowered:
.L_overlay_start_1:
0x0: {  	(tag) =	ssettag $0x1  }
0x1: {  	s0 =	srdreg.scid  }
0x2: {  	s1 =	sshll.u32 s0, $0x4  }
0x3: {  	s4 =	rddreg [dreg:$0x0];
	s0 =	stileid.u32;
	s1 =	sand.u32 $0x10, s1  }
0x4: {  	s2 =	rddreg [dreg:$0x1];
	s7 =	simm.s32 $0x1;
	s1 =	sor.u32 s0, s1  }
0x5: {  	s8 =	simm.s32 $0x2;
	s11 =	simm.s32 $0x0;
	s3 =	sshll.u32 s1, $0x7  }
0x6: {  	s10 =	simm.s32 $0x0;
	s4 =	sadd.s32 $0xA00, s4;
	s6 =	ssub.s32 $0xC8000, s3  }
.Ltmp0:
0x7: {  	s1 =	rddreg [dreg:$0x2];
	s5 =	sand.u32 $0xF80, s6;
	(pc) =	sbr.rel .LBB1_1-.Ltmp0, $4  }
0x8: {  	_ =	strace $0x8000004A;
	s9 =	smov.u32 s3;
	p0 =	sne.s32 s5, $0x0  }
0x9: {  	s6 =	sshrl.u32 s6, $0xC;
	s5 =	simm.s32 $0x1;
	s7 =	simm.s32 @!p0 $0x0  }
0xa: {  	[sflag:s5] =	ssyncpa.u1 $0x0;
	p0 =	por $0x0, $0x0;
	s6 =	sadd.s32 s7, s6  }
0xb: {  	[sflag:s8] =	ssyncpa.u1 $0x0;
	s8 =	simm.s32 $0x640000;
	s7 =	sadd.s32 $0x1, s6  }
.LBB1_4:
0xc: {  	s14 =	sshll.u32 s11, $0x3  }
0xd: {  	s30 =	sand.u32 $0x7F, s11;
	s15 =	sand.u32 $0xFFFFFC00, s14  }
0xe: {  	s11 =	sor.u32 s30, s15  }
0xf: {  	s15 =	smulhi.u32 $0x51EB851F, s11  }
0x10: {  	s14 =	smulhi.u32 $0x51EB851F, s14  }
0x11: {  	s15 =	sshrl.u32 s15, $0x12  }
0x12: {  	s14 =	sshrl.u32 s14, $0x12;
	s15 =	smul.u32 $0xC8000, s15  }
0x13: {  	s14 =	sand.u32 $0x3F, s14  }
0x14: {  	s14 =	smul.u32 $0x19000, s14;
	s11 =	ssub.s32 s11, s15  }
0x15: {  	[tilespmem:s13+$0x810 ss:$0x81] =	vst.msk $0xffff, v2;
	s15 =	sand.u32 $0x7, s11  }
0x16: {  	[tilespmem:s13+$0x1020 ss:$0x81] =	vst.msk $0xffff, v0;
	s14 =	sadd.s32 s2, s14;
	s11 =	sshrl.u32 s11, $0x3;
	s15 =	sshll.u32 s15, $0x12  }
0x17: {  	[tilespmem:s13+$0x0 ss:$0x81] =	vst.msk $0xffff, v1;
	s11 =	sadd.s32 s11, s14;
	s31 =	sor.u32 $0x400, s15  }
0x18: {  	[hbm4b:s11+s31] =	stream.strided.scatter [tilespmem:s12], [sflag:$0x2], $0x2000, s8, s31, $0x20;
	[tilespmem:$0x8080] =	vst v63  }
.LBB1_5:
0x19: {  	s13 =	sadd.s32 $0x1000, s9  }
0x1a: {  	p2 =	sgt.s32 s13, $0xC7FFF  }
0x1b: {  	s13 =	smov.u32 @p2 s3;
	p2 =	sne.s32 s10, s7  }
.Ltmp1:
0x1c: {  	p1 =	slt.u32 s10, $0x2;
	(pc) =	sbr.rel @!p2 .LBB1_6-.Ltmp1, $4  }
0x1d: {  	s12 =	simm.s32 @!p1 $0x2  }
0x1e: {  	s14 =	sadd.s32 $0x1, s10;
	_ =	swait.ge @!p1 [sflag:s12], $0x2000  }
0x1f: {  	s11 =	smov.u32 s9;
	p0 =	por !p0, !p0;
	[sflag:s12] =	ssyncset.done @!p1 $0x0  }
0x20: {  	s10 =	smov.u32 s14;
	s9 =	smov.u32 s13;
	[sflag:s12] =	ssyncadd.s32 @!p1 $0xFFFFE000  }
.LBB1_1:
0x21: {  	p1 =	sge.u32 s10, s6  }
0x22: {  	s12 =	sand.u32 @!p1 $0x1FFFFFF, s9  }
0x23: {  	s13 =	smulhi.u32 @!p1 $0x147AE15, s12;
	_ =	sdelay $0x1  }
0x24: {  	s13 =	sshrl.u32 @!p1 s13, $0xC  }
0x25: {  	s13 =	smul.u32 @!p1 $0xC8000, s13;
	_ =	sdelay $0x1  }
0x26: {  	s31 =	sadd.s32 $0xFFFFFFFF, s10;
	s14 =	sxor.u32 @!p1 $0xFFFFFFFF, s10;
	s12 =	ssub.s32 @!p1 s12, s13  }
0x27: {  	s15 =	simm.s32 @!p1 $0x80;
	s14 =	sshll.u32 @!p1 s14, $0xD;
	s12 =	sshll.u32 @!p1 s12, $0x4  }
0x28: {  	s13 =	sand.u32 @!p1 $0x2000, s14;
	s14 =	simm.s32 @!p1 $0x40;
	s12 =	sadd.s32 @!p1 s4, s12  }
0x29: {  	[tilespmem:s13], [sflag:$0x1] =	stream.strided.gather @!p1 [hbm4b:s12+s14], $0x2000, s15, s14, $0x38;
	[tilespmem:$0x8080] =	vst v63  }
0x2a: {  	p1 =	sge.u32 s31, s6  }
.Ltmp2:
0x2b: {  	_ = 	snop;
	(pc) =	sbr.rel @p1 .LBB1_5-.Ltmp2, $1  }
0x2c: {  	_ =	sdelay $0x3  }
0x2d: {  	s12 =	simm.s32 $0x1  }
0x2e: {  	_ =	swait.ge [sflag:s5], $0x2000;
	s12 =	simm.s32 @!p0 $0x0  }
0x2f: {  	[sflag:s5] =	ssyncset.done $0x0;
	s13 =	sshll.u32 s12, $0xD  }
0x30: {  	[sflag:s5] =	ssyncadd.s32 $0xFFFFE000;
	s16 =	sor.u32 $0x20, s13  }
0x31: {  	s12 =	smul.u32 $0x8100, s12;
	v3 =	vld [tilespmem:s16+$0x10]  }
0x32: {  	s30 =	sand.u32 $0x1, s10;
	v2 =	vld [tilespmem:s16+$0xFFFFFFF0]  }
0x33: {  	s13 =	smul.u32 $0x8100, s30;
	s12 =	sshrl.u32 s12, $0x2;
	v0 =	vld [tilespmem:s16+$0x0]  }
0x34: {  	v1 =	vld [tilespmem:s16+$0xFFFFFFE0];
	s14 =	sor.u32 $0x4000, s12  }
0x35: {  	s31 =	sshrl.u32 s13, $0x2;
	s13 =	sadd.s32 $0x0, s14  }
0x36: {  	s15 =	simm.s32 $0x4;
	s16 =	sadd.s32 $0x40, s16;
	s12 =	sor.u32 $0x4000, s31;
	[tilespmem:s13+$0x1830 ss:$0x81] =	vst.msk $0xffff, v3  }
.LBB1_3:
0x37: {  	v3 =	vld [tilespmem:s16+$0x10];
	p1 =	sne.s32 s15, $0x1FC;
	[tilespmem:s13+$0x810 ss:$0x81] =	vst.msk $0xffff, v2;
	s17 =	smov.u32 s15;
	s15 =	sadd.s32 $0x4, s15  }
.Ltmp3:
0x38: {  	v2 =	vld [tilespmem:s16+$0xFFFFFFF0];
	[tilespmem:s13+$0x1020 ss:$0x81] =	vst.msk $0xffff, v0;
	(pc) =	sbr.rel @p1 .LBB1_3-.Ltmp3, $4  }
0x39: {  	v0 =	vld [tilespmem:s16+$0x0];
	[tilespmem:s13+$0x0 ss:$0x81] =	vst.msk $0xffff, v1  }
0x3a: {  	s13 =	sshra.s32 s17, $0x2;
	v1 =	vld [tilespmem:s16+$0xFFFFFFE0]  }
0x3b: {  	s13 =	sadd.s32 s13, s14  }
0x3c: {  	s16 =	sadd.s32 $0x40, s16;
	[tilespmem:s13+$0x1830 ss:$0x81] =	vst.msk $0xffff, v3  }
.Ltmp4:
0x3d: {  	_ = 	snop;
	(pc) =	sbr.rel .LBB1_4-.Ltmp4, $1  }
0x3e: {  	_ =	sdelay $0x3  }
.LBB1_6:
0x3f: {  	_ =	sfence.sel $0x180000  }
0x40: {  	s2 =	simm.s32 $0x1;
	[bflag:$0x0] =	sbarrier.arrive $0xFFFF  }
0x41: {  	s31 =	simm.s32 $0x2;
	[sflag:s2] =	ssyncpa.u1 $0x1  }
0x42: {  	[sflag:s31] =	ssyncpa.u1 $0x1  }
0x43: {  	p0 =	sne.s32 s0, $0x0;
	_ =	strace $0x9000004A  }
0x44: {  	s0 =	sadd.s32 @!p0 $0x100000, s1;
	[bflag:$0x2] =	sbarrier.arrive $0xFFFF  }
0x45: {  	[sflag:s0] =	ssyncadd.tile.s32 @!p0 $0x1;
	_ =	shalt  }
.Lfunc_end1:
_tile_overlayer_lowered:
.L_overlay_start_2:
0x46: {  	(tag) =	ssettag $0x2  }
0x47: {  	s0 =	rddreg [dreg:$0x0];
	s2 =	stileid.u32  }
0x48: {  	s1 =	rddreg [dreg:$0x1];
	p0 =	sne.s32 s2, $0x0  }
0x49: {  	s3 =	rddreg [dreg:$0x2];
	[bflag:$0x3] =	sbarrier.arrive $0xFFFF;
	s2 =	simm.s32 @!p0 $0x1C01  }
0x4a: {  	[timem:s3], [sflag:s2] =	dma.local @!p0 [hbm:s0], s1  }
0x4b: {  	s0 =	simm.s32 @!p0 $0x1  }
0x4c: {  	_ =	swait.ge @!p0 [sflag:s0], s1  }
0x4d: {  	s1 =	ssub.s32 @!p0 $0x0, s1;
	[sflag:s0] =	ssyncset.done @!p0 $0x0  }
0x4e: {  	[sflag:s0] =	ssyncadd.s32 @!p0 s1  }
0x4f: {  	[bflag:$0x3] =	sbarrier.arrive $0xFFFF  }
0x50: {  	_ =	shalt  }

</sc_bundles>
